<compile_context>
chip_gen: v7x
topology: tpu7x:2x2x1
jax: 0.10.2.dev20260603
libtpu: 0.0.44.dev20260713+nightly
codegen_flags: <defaults>
</compile_context>

<pallas_src>
import functools

import jax
import jax.numpy as jnp
from jax import lax
from jax.experimental import pallas as pl
from jax.experimental.pallas import tpu as pltpu
from jax.experimental.pallas import tpu_sc as plsc

_NUM_CORES = 2
_NUM_SUBCORES = 16
_NUM_WORKERS = _NUM_CORES * _NUM_SUBCORES

_DIM = 1024
_BATCH = 4
_SEQ = 8192
_TOTAL = _BATCH * _SEQ
_BPW = _TOTAL // _NUM_WORKERS
_CHUNK = 32
_NCHUNK = _BPW // _CHUNK
_NBUF = 3


def _make_gather():
  mesh = plsc.VectorSubcoreMesh(
      core_axis_name="c", subcore_axis_name="s",
      num_cores=_NUM_CORES, num_subcores=_NUM_SUBCORES)

  @functools.partial(
      pl.kernel,
      mesh=mesh,
      out_type=jax.ShapeDtypeStruct((_TOTAL, _DIM), jnp.float32),
      scratch_types=[
          pltpu.VMEM((_NCHUNK, _CHUNK), jnp.int32),
          pltpu.VMEM((_CHUNK, _DIM), jnp.float32),
          pltpu.VMEM((_CHUNK, _DIM), jnp.float32),
          pltpu.VMEM((_CHUNK, _DIM), jnp.float32),
          pltpu.SemaphoreType.DMA,
          pltpu.SemaphoreType.DMA,
          pltpu.SemaphoreType.DMA,
          pltpu.SemaphoreType.DMA,
          pltpu.SemaphoreType.DMA,
          pltpu.SemaphoreType.DMA,
      ],
  )
  def gather_kernel(tok_hbm, tab_hbm, out_hbm,
                    idx_v, buf0, buf1, buf2, gs0, gs1, gs2, os0, os1, os2):
    wid = lax.axis_index("s") * _NUM_CORES + lax.axis_index("c")
    base = wid * _BPW
    bufs = (buf0, buf1, buf2)
    gsems = (gs0, gs1, gs2)
    osems = (os0, os1, os2)

    def issue_gather(g, b):
      pltpu.async_copy(tab_hbm.at[idx_v.at[g]], bufs[b], gsems[b])

    def wait_gather(g, b):
      pltpu.make_async_copy(
          tab_hbm.at[idx_v.at[g]], bufs[b], gsems[b]).wait()

    def issue_write(g, b):
      pltpu.async_copy(
          bufs[b], out_hbm.at[pl.ds(base + g * _CHUNK, _CHUNK)], osems[b])

    def drain_write(b):
      pltpu.make_async_copy(
          bufs[b], out_hbm.at[pl.ds(base, _CHUNK)], osems[b]).wait()

    pltpu.sync_copy(tok_hbm.at[wid], idx_v)

    issue_gather(0, 0)
    issue_gather(1, 1)

    @pl.loop(0, (_NCHUNK - 2) // _NBUF)
    def _(i):
      for j in range(_NBUF):
        g = i * _NBUF + j
        nb = (j + 2) % _NBUF

        @pl.when(g >= 1)
        def _():
          drain_write(nb)
        issue_gather(g + 2, nb)

        wait_gather(g, j)
        issue_write(g, j)

    for g in (_NCHUNK - 2, _NCHUNK - 1):
      b = g % _NBUF
      wait_gather(g, b)
      issue_write(g, b)

    for b in range(_NBUF):
      drain_write(b)

  return gather_kernel


_gather = _make_gather()


@jax.jit
def kernel(tokens, tok_embeddings):
  ids = tokens.astype(jnp.int32).reshape(_NUM_WORKERS, _NCHUNK, _CHUNK)
  out = _gather(ids, tok_embeddings)
  return out.reshape(_BATCH, _SEQ, _DIM)

# --- scband reference (transcript-rebuilt; emitter-appended) ---
"""Pipeline reference for scband-initial-layer-34239479284010 (READ-ONLY COPY).

The authoritative reference and input builder live on the scoring server;
editing this copy changes nothing except your own understanding.
"""

import jax, jax.numpy as jnp
import numpy as np

VOCAB = 100000
DIM = 1024
BATCH = 4
SEQ = 8192


def setup_inputs(seed: int = 0) -> dict:
    key = jax.random.key(seed)
    k_tok, k_emb = jax.random.split(key)
    tokens = jax.random.randint(k_tok, (BATCH, SEQ), 0, VOCAB, dtype=jnp.int64 if jax.config.jax_enable_x64 else jnp.int32)
    tok_embeddings = jax.random.normal(k_emb, (VOCAB, DIM), dtype=jnp.float32) * 0.02
    return {"tokens": tokens, "tok_embeddings": tok_embeddings}


def reference(tokens, tok_embeddings):
    # nn.Embedding forward: gather rows of the table by token id
    hidden_state = jnp.take(tok_embeddings, tokens, axis=0)
    return hidden_state

if __name__ == "__main__":
    import jax
    _d = setup_inputs()
    print(jax.jit(kernel)(*tuple(_d.values())))

</pallas_src>

<mosaic_0001>
#map = affine_map<(d0, d1) -> (0, 0, 0)>
#map1 = affine_map<(d0, d1) -> (0, 0)>
module attributes {stable_mosaic.version = 14 : i64} {
  func.func @gather_kernel(%arg0: i32, %arg1: i32, %arg2: memref<32x32x32xi32, #tpu.memory_space<hbm>>, %arg3: memref<100000x1024xf32, #tpu.memory_space<hbm>>, %arg4: memref<32768x1024xf32, #tpu.memory_space<hbm>>, %arg5: memref<32x32xi32, #tpu.memory_space<vmem>>, %arg6: memref<32x1024xf32, #tpu.memory_space<vmem>>, %arg7: memref<32x1024xf32, #tpu.memory_space<vmem>>, %arg8: memref<32x1024xf32, #tpu.memory_space<vmem>>, %arg9: memref<!tpu.dma_semaphore, #tpu.memory_space<semaphore_mem>>, %arg10: memref<!tpu.dma_semaphore, #tpu.memory_space<semaphore_mem>>, %arg11: memref<!tpu.dma_semaphore, #tpu.memory_space<semaphore_mem>>, %arg12: memref<!tpu.dma_semaphore, #tpu.memory_space<semaphore_mem>>, %arg13: memref<!tpu.dma_semaphore, #tpu.memory_space<semaphore_mem>>, %arg14: memref<!tpu.dma_semaphore, #tpu.memory_space<semaphore_mem>>) attributes {dimension_semantics = [#tpu.dimension_semantics<core_parallel>, #tpu.dimension_semantics<subcore_parallel>], iteration_bounds = array<i64: 2, 16>, scalar_prefetch = 0 : i64, scratch_operands = 10 : i64, tpu.core_type = #tpu.core_type<sc_vector_subcore>, window_params = [{transform_indices = #map}, {transform_indices = #map1}, {transform_indices = #map1}]} {
    %mul3A = arith.constant 2 : i32
    %mul3A_0 = arith.muli %arg1, %mul3A : i32
    %add3A = arith.addi %mul3A_0, %arg0 : i32
    %mul3A_1 = arith.constant 1024 : i32
    %mul3A_2 = arith.muli %add3A, %mul3A_1 : i32
    "tpu.region"() ({
      %run_scoped3A = tpu.sem_alloc : memref<!tpu.dma_semaphore, #tpu.memory_space<semaphore_mem>>
      %dma_start3A_57 = arith.constant 0 : i32
      %dma_start3A_58 = arith.constant 0 : i32
      %dma_start3A_59 = tpu.memref_slice %arg2[%add3A, %dma_start3A_57, %dma_start3A_58] : memref<32x32x32xi32, #tpu.memory_space<hbm>> -> memref<1x32x32xi32, #tpu.memory_space<hbm>>
      %dma_start3A_60 = tpu.memref_squeeze %dma_start3A_59 : memref<1x32x32xi32, #tpu.memory_space<hbm>> -> memref<32x32xi32, #tpu.memory_space<hbm>>
      %dma_start3A_61 = arith.constant 0 : i32
      %dma_start3A_62 = arith.constant 0 : i32
      %dma_start3A_63 = tpu.memref_slice %arg2[%add3A, %dma_start3A_61, %dma_start3A_62] : memref<32x32x32xi32, #tpu.memory_space<hbm>> -> memref<1x32x32xi32, #tpu.memory_space<hbm>>
      %dma_start3A_64 = tpu.memref_squeeze %dma_start3A_63 : memref<1x32x32xi32, #tpu.memory_space<hbm>> -> memref<32x32xi32, #tpu.memory_space<hbm>>
      tpu.enqueue_dma source(%dma_start3A_64 : memref<32x32xi32, #tpu.memory_space<hbm>>) target(%arg5 : memref<32x32xi32, #tpu.memory_space<vmem>>) target_semaphore(%run_scoped3A : memref<!tpu.dma_semaphore, #tpu.memory_space<semaphore_mem>>)
      %dma_wait3A_65 = arith.constant 0 : i32
      %dma_wait3A_66 = arith.constant 0 : i32
      %dma_wait3A_67 = tpu.memref_slice %arg2[%add3A, %dma_wait3A_65, %dma_wait3A_66] : memref<32x32x32xi32, #tpu.memory_space<hbm>> -> memref<1x32x32xi32, #tpu.memory_space<hbm>>
      %dma_wait3A_68 = tpu.memref_squeeze %dma_wait3A_67 : memref<1x32x32xi32, #tpu.memory_space<hbm>> -> memref<32x32xi32, #tpu.memory_space<hbm>>
      %dma_wait3A_69 = arith.constant 0 : i32
      %dma_wait3A_70 = arith.constant 0 : i32
      %dma_wait3A_71 = tpu.memref_slice %arg2[%add3A, %dma_wait3A_69, %dma_wait3A_70] : memref<32x32x32xi32, #tpu.memory_space<hbm>> -> memref<1x32x32xi32, #tpu.memory_space<hbm>>
      %dma_wait3A_72 = tpu.memref_squeeze %dma_wait3A_71 : memref<1x32x32xi32, #tpu.memory_space<hbm>> -> memref<32x32xi32, #tpu.memory_space<hbm>>
      tpu.wait_dma2 semaphore(%run_scoped3A : memref<!tpu.dma_semaphore, #tpu.memory_space<semaphore_mem>>) src(%dma_wait3A_72 : memref<32x32xi32, #tpu.memory_space<hbm>>) dst(%arg5 : memref<32x32xi32, #tpu.memory_space<vmem>>)
      tpu.yield
    }) : () -> ()
    %dma_start3A = arith.constant 0 : i32
    %dma_start3A_3 = arith.constant 0 : i32
    %dma_start3A_4 = tpu.memref_slice %arg5[%dma_start3A, %dma_start3A_3] : memref<32x32xi32, #tpu.memory_space<vmem>> -> memref<1x32xi32, #tpu.memory_space<vmem>>
    %dma_start3A_5 = tpu.memref_squeeze %dma_start3A_4 : memref<1x32xi32, #tpu.memory_space<vmem>> -> memref<32xi32, #tpu.memory_space<vmem>>
    %dma_start3A_6 = arith.constant 0 : i32
    %dma_start3A_7 = arith.constant 0 : i32
    %dma_start3A_8 = tpu.memref_slice %arg3[%dma_start3A_6, %dma_start3A_7] : memref<100000x1024xf32, #tpu.memory_space<hbm>> -> memref<100000x1024xf32, #tpu.memory_space<hbm>>
    tpu.enqueue_indirect_dma source(%dma_start3A_8 : memref<100000x1024xf32, #tpu.memory_space<hbm>>) target(%arg6 : memref<32x1024xf32, #tpu.memory_space<vmem>>) offsets(%dma_start3A_5 : memref<32xi32, #tpu.memory_space<vmem>>) semaphore(%arg9 : memref<!tpu.dma_semaphore, #tpu.memory_space<semaphore_mem>>)
    %dma_start3A_9 = arith.constant 1 : i32
    %dma_start3A_10 = arith.constant 0 : i32
    %dma_start3A_11 = tpu.memref_slice %arg5[%dma_start3A_9, %dma_start3A_10] : memref<32x32xi32, #tpu.memory_space<vmem>> -> memref<1x32xi32, #tpu.memory_space<vmem>>
    %dma_start3A_12 = tpu.memref_squeeze %dma_start3A_11 : memref<1x32xi32, #tpu.memory_space<vmem>> -> memref<32xi32, #tpu.memory_space<vmem>>
    %dma_start3A_13 = arith.constant 0 : i32
    %dma_start3A_14 = arith.constant 0 : i32
    %dma_start3A_15 = tpu.memref_slice %arg3[%dma_start3A_13, %dma_start3A_14] : memref<100000x1024xf32, #tpu.memory_space<hbm>> -> memref<100000x1024xf32, #tpu.memory_space<hbm>>
    tpu.enqueue_indirect_dma source(%dma_start3A_15 : memref<100000x1024xf32, #tpu.memory_space<hbm>>) target(%arg7 : memref<32x1024xf32, #tpu.memory_space<vmem>>) offsets(%dma_start3A_12 : memref<32xi32, #tpu.memory_space<vmem>>) semaphore(%arg10 : memref<!tpu.dma_semaphore, #tpu.memory_space<semaphore_mem>>)
    %scan3A = arith.constant 0 : i32
    %scan3A_16 = arith.constant 10 : i32
    %scan3A_17 = arith.addi %scan3A, %scan3A_16 : i32
    %scan3A_18 = arith.constant 1 : i32
    scf.for %scan3A_57 = %scan3A to %scan3A_17 step %scan3A_18  : i32 {
      %mul3A_58 = arith.constant 1 : i32
      %mul3A_59 = arith.muli %scan3A_57, %mul3A_58 : i32
      %add3A_60 = arith.constant 0 : i32
      %add3A_61 = arith.addi %add3A_60, %mul3A_59 : i32
      %mul3A_62 = arith.constant 3 : i32
      %mul3A_63 = arith.muli %add3A_61, %mul3A_62 : i32
      %add3A_64 = arith.constant 0 : i32
      %add3A_65 = arith.addi %mul3A_63, %add3A_64 : i32
      %ge3A = arith.constant 1 : i32
      %ge3A_66 = arith.cmpi sge, %add3A_65, %ge3A : i32
      %convert_element_type3A = arith.extui %ge3A_66 : i1 to i32
      %cond3A = arith.constant 0 : i32
      %cond3A_67 = arith.cmpi ne, %convert_element_type3A, %cond3A : i32
      scf.if %cond3A_67 {
        %dma_wait3A_149 = arith.constant 0 : i32
        %dma_wait3A_150 = tpu.memref_slice %arg4[%mul3A_2, %dma_wait3A_149] : memref<32768x1024xf32, #tpu.memory_space<hbm>> -> memref<32x1024xf32, #tpu.memory_space<hbm>>
        %dma_wait3A_151 = arith.constant 0 : i32
        %dma_wait3A_152 = tpu.memref_slice %arg4[%mul3A_2, %dma_wait3A_151] : memref<32768x1024xf32, #tpu.memory_space<hbm>> -> memref<32x1024xf32, #tpu.memory_space<hbm>>
        tpu.wait_dma2 semaphore(%arg14 : memref<!tpu.dma_semaphore, #tpu.memory_space<semaphore_mem>>) src(%arg8 : memref<32x1024xf32, #tpu.memory_space<vmem>>) dst(%dma_wait3A_152 : memref<32x1024xf32, #tpu.memory_space<hbm>>)
      } else {
      }
      %add3A_68 = arith.constant 2 : i32
      %add3A_69 = arith.addi %add3A_65, %add3A_68 : i32
      %dma_start3A_70 = arith.constant 0 : i32
      %dma_start3A_71 = tpu.memref_slice %arg5[%add3A_69, %dma_start3A_70] : memref<32x32xi32, #tpu.memory_space<vmem>> -> memref<1x32xi32, #tpu.memory_space<vmem>>
      %dma_start3A_72 = tpu.memref_squeeze %dma_start3A_71 : memref<1x32xi32, #tpu.memory_space<vmem>> -> memref<32xi32, #tpu.memory_space<vmem>>
      %dma_start3A_73 = arith.constant 0 : i32
      %dma_start3A_74 = arith.constant 0 : i32
      %dma_start3A_75 = tpu.memref_slice %arg3[%dma_start3A_73, %dma_start3A_74] : memref<100000x1024xf32, #tpu.memory_space<hbm>> -> memref<100000x1024xf32, #tpu.memory_space<hbm>>
      tpu.enqueue_indirect_dma source(%dma_start3A_75 : memref<100000x1024xf32, #tpu.memory_space<hbm>>) target(%arg8 : memref<32x1024xf32, #tpu.memory_space<vmem>>) offsets(%dma_start3A_72 : memref<32xi32, #tpu.memory_space<vmem>>) semaphore(%arg11 : memref<!tpu.dma_semaphore, #tpu.memory_space<semaphore_mem>>)
      %dma_wait3A_76 = arith.constant 0 : i32
      %dma_wait3A_77 = tpu.memref_slice %arg5[%add3A_65, %dma_wait3A_76] : memref<32x32xi32, #tpu.memory_space<vmem>> -> memref<1x32xi32, #tpu.memory_space<vmem>>
      %dma_wait3A_78 = tpu.memref_squeeze %dma_wait3A_77 : memref<1x32xi32, #tpu.memory_space<vmem>> -> memref<32xi32, #tpu.memory_space<vmem>>
      %dma_wait3A_79 = arith.constant 0 : i32
      %dma_wait3A_80 = arith.constant 0 : i32
      %dma_wait3A_81 = tpu.memref_slice %arg3[%dma_wait3A_79, %dma_wait3A_80] : memref<100000x1024xf32, #tpu.memory_space<hbm>> -> memref<100000x1024xf32, #tpu.memory_space<hbm>>
      tpu.wait_indirect_dma semaphore(%arg9 : memref<!tpu.dma_semaphore, #tpu.memory_space<semaphore_mem>>) src(%dma_wait3A_81 : memref<100000x1024xf32, #tpu.memory_space<hbm>>) dst(%arg6 : memref<32x1024xf32, #tpu.memory_space<vmem>>)
      %mul3A_82 = arith.constant 32 : i32
      %mul3A_83 = arith.muli %add3A_65, %mul3A_82 : i32
      %add3A_84 = arith.addi %mul3A_2, %mul3A_83 : i32
      %dma_start3A_85 = arith.constant 0 : i32
      %dma_start3A_86 = tpu.memref_slice %arg4[%add3A_84, %dma_start3A_85] : memref<32768x1024xf32, #tpu.memory_space<hbm>> -> memref<32x1024xf32, #tpu.memory_space<hbm>>
      %dma_start3A_87 = arith.constant 0 : i32
      %dma_start3A_88 = tpu.memref_slice %arg4[%add3A_84, %dma_start3A_87] : memref<32768x1024xf32, #tpu.memory_space<hbm>> -> memref<32x1024xf32, #tpu.memory_space<hbm>>
      tpu.enqueue_dma source(%arg6 : memref<32x1024xf32, #tpu.memory_space<vmem>>) target(%dma_start3A_88 : memref<32x1024xf32, #tpu.memory_space<hbm>>) target_semaphore(%arg12 : memref<!tpu.dma_semaphore, #tpu.memory_space<semaphore_mem>>)
      %mul3A_89 = arith.constant 3 : i32
      %mul3A_90 = arith.muli %add3A_61, %mul3A_89 : i32
      %add3A_91 = arith.constant 1 : i32
      %add3A_92 = arith.addi %mul3A_90, %add3A_91 : i32
      %ge3A_93 = arith.constant 1 : i32
      %ge3A_94 = arith.cmpi sge, %add3A_92, %ge3A_93 : i32
      %convert_element_type3A_95 = arith.extui %ge3A_94 : i1 to i32
      %cond3A_96 = arith.constant 0 : i32
      %cond3A_97 = arith.cmpi ne, %convert_element_type3A_95, %cond3A_96 : i32
      scf.if %cond3A_97 {
        %dma_wait3A_149 = arith.constant 0 : i32
        %dma_wait3A_150 = tpu.memref_slice %arg4[%mul3A_2, %dma_wait3A_149] : memref<32768x1024xf32, #tpu.memory_space<hbm>> -> memref<32x1024xf32, #tpu.memory_space<hbm>>
        %dma_wait3A_151 = arith.constant 0 : i32
        %dma_wait3A_152 = tpu.memref_slice %arg4[%mul3A_2, %dma_wait3A_151] : memref<32768x1024xf32, #tpu.memory_space<hbm>> -> memref<32x1024xf32, #tpu.memory_space<hbm>>
        tpu.wait_dma2 semaphore(%arg12 : memref<!tpu.dma_semaphore, #tpu.memory_space<semaphore_mem>>) src(%arg6 : memref<32x1024xf32, #tpu.memory_space<vmem>>) dst(%dma_wait3A_152 : memref<32x1024xf32, #tpu.memory_space<hbm>>)
      } else {
      }
      %add3A_98 = arith.constant 2 : i32
      %add3A_99 = arith.addi %add3A_92, %add3A_98 : i32
      %dma_start3A_100 = arith.constant 0 : i32
      %dma_start3A_101 = tpu.memref_slice %arg5[%add3A_99, %dma_start3A_100] : memref<32x32xi32, #tpu.memory_space<vmem>> -> memref<1x32xi32, #tpu.memory_space<vmem>>
      %dma_start3A_102 = tpu.memref_squeeze %dma_start3A_101 : memref<1x32xi32, #tpu.memory_space<vmem>> -> memref<32xi32, #tpu.memory_space<vmem>>
      %dma_start3A_103 = arith.constant 0 : i32
      %dma_start3A_104 = arith.constant 0 : i32
      %dma_start3A_105 = tpu.memref_slice %arg3[%dma_start3A_103, %dma_start3A_104] : memref<100000x1024xf32, #tpu.memory_space<hbm>> -> memref<100000x1024xf32, #tpu.memory_space<hbm>>
      tpu.enqueue_indirect_dma source(%dma_start3A_105 : memref<100000x1024xf32, #tpu.memory_space<hbm>>) target(%arg6 : memref<32x1024xf32, #tpu.memory_space<vmem>>) offsets(%dma_start3A_102 : memref<32xi32, #tpu.memory_space<vmem>>) semaphore(%arg9 : memref<!tpu.dma_semaphore, #tpu.memory_space<semaphore_mem>>)
      %dma_wait3A_106 = arith.constant 0 : i32
      %dma_wait3A_107 = tpu.memref_slice %arg5[%add3A_92, %dma_wait3A_106] : memref<32x32xi32, #tpu.memory_space<vmem>> -> memref<1x32xi32, #tpu.memory_space<vmem>>
      %dma_wait3A_108 = tpu.memref_squeeze %dma_wait3A_107 : memref<1x32xi32, #tpu.memory_space<vmem>> -> memref<32xi32, #tpu.memory_space<vmem>>
      %dma_wait3A_109 = arith.constant 0 : i32
      %dma_wait3A_110 = arith.constant 0 : i32
      %dma_wait3A_111 = tpu.memref_slice %arg3[%dma_wait3A_109, %dma_wait3A_110] : memref<100000x1024xf32, #tpu.memory_space<hbm>> -> memref<100000x1024xf32, #tpu.memory_space<hbm>>
      tpu.wait_indirect_dma semaphore(%arg10 : memref<!tpu.dma_semaphore, #tpu.memory_space<semaphore_mem>>) src(%dma_wait3A_111 : memref<100000x1024xf32, #tpu.memory_space<hbm>>) dst(%arg7 : memref<32x1024xf32, #tpu.memory_space<vmem>>)
      %mul3A_112 = arith.constant 32 : i32
      %mul3A_113 = arith.muli %add3A_92, %mul3A_112 : i32
      %add3A_114 = arith.addi %mul3A_2, %mul3A_113 : i32
      %dma_start3A_115 = arith.constant 0 : i32
      %dma_start3A_116 = tpu.memref_slice %arg4[%add3A_114, %dma_start3A_115] : memref<32768x1024xf32, #tpu.memory_space<hbm>> -> memref<32x1024xf32, #tpu.memory_space<hbm>>
      %dma_start3A_117 = arith.constant 0 : i32
      %dma_start3A_118 = tpu.memref_slice %arg4[%add3A_114, %dma_start3A_117] : memref<32768x1024xf32, #tpu.memory_space<hbm>> -> memref<32x1024xf32, #tpu.memory_space<hbm>>
      tpu.enqueue_dma source(%arg7 : memref<32x1024xf32, #tpu.memory_space<vmem>>) target(%dma_start3A_118 : memref<32x1024xf32, #tpu.memory_space<hbm>>) target_semaphore(%arg13 : memref<!tpu.dma_semaphore, #tpu.memory_space<semaphore_mem>>)
      %mul3A_119 = arith.constant 3 : i32
      %mul3A_120 = arith.muli %add3A_61, %mul3A_119 : i32
      %add3A_121 = arith.constant 2 : i32
      %add3A_122 = arith.addi %mul3A_120, %add3A_121 : i32
      %ge3A_123 = arith.constant 1 : i32
      %ge3A_124 = arith.cmpi sge, %add3A_122, %ge3A_123 : i32
      %convert_element_type3A_125 = arith.extui %ge3A_124 : i1 to i32
      %cond3A_126 = arith.constant 0 : i32
      %cond3A_127 = arith.cmpi ne, %convert_element_type3A_125, %cond3A_126 : i32
      scf.if %cond3A_127 {
        %dma_wait3A_149 = arith.constant 0 : i32
        %dma_wait3A_150 = tpu.memref_slice %arg4[%mul3A_2, %dma_wait3A_149] : memref<32768x1024xf32, #tpu.memory_space<hbm>> -> memref<32x1024xf32, #tpu.memory_space<hbm>>
        %dma_wait3A_151 = arith.constant 0 : i32
        %dma_wait3A_152 = tpu.memref_slice %arg4[%mul3A_2, %dma_wait3A_151] : memref<32768x1024xf32, #tpu.memory_space<hbm>> -> memref<32x1024xf32, #tpu.memory_space<hbm>>
        tpu.wait_dma2 semaphore(%arg13 : memref<!tpu.dma_semaphore, #tpu.memory_space<semaphore_mem>>) src(%arg7 : memref<32x1024xf32, #tpu.memory_space<vmem>>) dst(%dma_wait3A_152 : memref<32x1024xf32, #tpu.memory_space<hbm>>)
      } else {
      }
      %add3A_128 = arith.constant 2 : i32
      %add3A_129 = arith.addi %add3A_122, %add3A_128 : i32
      %dma_start3A_130 = arith.constant 0 : i32
      %dma_start3A_131 = tpu.memref_slice %arg5[%add3A_129, %dma_start3A_130] : memref<32x32xi32, #tpu.memory_space<vmem>> -> memref<1x32xi32, #tpu.memory_space<vmem>>
      %dma_start3A_132 = tpu.memref_squeeze %dma_start3A_131 : memref<1x32xi32, #tpu.memory_space<vmem>> -> memref<32xi32, #tpu.memory_space<vmem>>
      %dma_start3A_133 = arith.constant 0 : i32
      %dma_start3A_134 = arith.constant 0 : i32
      %dma_start3A_135 = tpu.memref_slice %arg3[%dma_start3A_133, %dma_start3A_134] : memref<100000x1024xf32, #tpu.memory_space<hbm>> -> memref<100000x1024xf32, #tpu.memory_space<hbm>>
      tpu.enqueue_indirect_dma source(%dma_start3A_135 : memref<100000x1024xf32, #tpu.memory_space<hbm>>) target(%arg7 : memref<32x1024xf32, #tpu.memory_space<vmem>>) offsets(%dma_start3A_132 : memref<32xi32, #tpu.memory_space<vmem>>) semaphore(%arg10 : memref<!tpu.dma_semaphore, #tpu.memory_space<semaphore_mem>>)
      %dma_wait3A_136 = arith.constant 0 : i32
      %dma_wait3A_137 = tpu.memref_slice %arg5[%add3A_122, %dma_wait3A_136] : memref<32x32xi32, #tpu.memory_space<vmem>> -> memref<1x32xi32, #tpu.memory_space<vmem>>
      %dma_wait3A_138 = tpu.memref_squeeze %dma_wait3A_137 : memref<1x32xi32, #tpu.memory_space<vmem>> -> memref<32xi32, #tpu.memory_space<vmem>>
      %dma_wait3A_139 = arith.constant 0 : i32
      %dma_wait3A_140 = arith.constant 0 : i32
      %dma_wait3A_141 = tpu.memref_slice %arg3[%dma_wait3A_139, %dma_wait3A_140] : memref<100000x1024xf32, #tpu.memory_space<hbm>> -> memref<100000x1024xf32, #tpu.memory_space<hbm>>
      tpu.wait_indirect_dma semaphore(%arg11 : memref<!tpu.dma_semaphore, #tpu.memory_space<semaphore_mem>>) src(%dma_wait3A_141 : memref<100000x1024xf32, #tpu.memory_space<hbm>>) dst(%arg8 : memref<32x1024xf32, #tpu.memory_space<vmem>>)
      %mul3A_142 = arith.constant 32 : i32
      %mul3A_143 = arith.muli %add3A_122, %mul3A_142 : i32
      %add3A_144 = arith.addi %mul3A_2, %mul3A_143 : i32
      %dma_start3A_145 = arith.constant 0 : i32
      %dma_start3A_146 = tpu.memref_slice %arg4[%add3A_144, %dma_start3A_145] : memref<32768x1024xf32, #tpu.memory_space<hbm>> -> memref<32x1024xf32, #tpu.memory_space<hbm>>
      %dma_start3A_147 = arith.constant 0 : i32
      %dma_start3A_148 = tpu.memref_slice %arg4[%add3A_144, %dma_start3A_147] : memref<32768x1024xf32, #tpu.memory_space<hbm>> -> memref<32x1024xf32, #tpu.memory_space<hbm>>
      tpu.enqueue_dma source(%arg8 : memref<32x1024xf32, #tpu.memory_space<vmem>>) target(%dma_start3A_148 : memref<32x1024xf32, #tpu.memory_space<hbm>>) target_semaphore(%arg14 : memref<!tpu.dma_semaphore, #tpu.memory_space<semaphore_mem>>)
    }
    %scan3A_19 = arith.constant 10 : i32
    %dma_wait3A = arith.constant 30 : i32
    %dma_wait3A_20 = arith.constant 0 : i32
    %dma_wait3A_21 = tpu.memref_slice %arg5[%dma_wait3A, %dma_wait3A_20] : memref<32x32xi32, #tpu.memory_space<vmem>> -> memref<1x32xi32, #tpu.memory_space<vmem>>
    %dma_wait3A_22 = tpu.memref_squeeze %dma_wait3A_21 : memref<1x32xi32, #tpu.memory_space<vmem>> -> memref<32xi32, #tpu.memory_space<vmem>>
    %dma_wait3A_23 = arith.constant 0 : i32
    %dma_wait3A_24 = arith.constant 0 : i32
    %dma_wait3A_25 = tpu.memref_slice %arg3[%dma_wait3A_23, %dma_wait3A_24] : memref<100000x1024xf32, #tpu.memory_space<hbm>> -> memref<100000x1024xf32, #tpu.memory_space<hbm>>
    tpu.wait_indirect_dma semaphore(%arg9 : memref<!tpu.dma_semaphore, #tpu.memory_space<semaphore_mem>>) src(%dma_wait3A_25 : memref<100000x1024xf32, #tpu.memory_space<hbm>>) dst(%arg6 : memref<32x1024xf32, #tpu.memory_space<vmem>>)
    %add3A_26 = arith.constant 960 : i32
    %add3A_27 = arith.addi %mul3A_2, %add3A_26 : i32
    %dma_start3A_28 = arith.constant 0 : i32
    %dma_start3A_29 = tpu.memref_slice %arg4[%add3A_27, %dma_start3A_28] : memref<32768x1024xf32, #tpu.memory_space<hbm>> -> memref<32x1024xf32, #tpu.memory_space<hbm>>
    %dma_start3A_30 = arith.constant 0 : i32
    %dma_start3A_31 = tpu.memref_slice %arg4[%add3A_27, %dma_start3A_30] : memref<32768x1024xf32, #tpu.memory_space<hbm>> -> memref<32x1024xf32, #tpu.memory_space<hbm>>
    tpu.enqueue_dma source(%arg6 : memref<32x1024xf32, #tpu.memory_space<vmem>>) target(%dma_start3A_31 : memref<32x1024xf32, #tpu.memory_space<hbm>>) target_semaphore(%arg12 : memref<!tpu.dma_semaphore, #tpu.memory_space<semaphore_mem>>)
    %dma_wait3A_32 = arith.constant 31 : i32
    %dma_wait3A_33 = arith.constant 0 : i32
    %dma_wait3A_34 = tpu.memref_slice %arg5[%dma_wait3A_32, %dma_wait3A_33] : memref<32x32xi32, #tpu.memory_space<vmem>> -> memref<1x32xi32, #tpu.memory_space<vmem>>
    %dma_wait3A_35 = tpu.memref_squeeze %dma_wait3A_34 : memref<1x32xi32, #tpu.memory_space<vmem>> -> memref<32xi32, #tpu.memory_space<vmem>>
    %dma_wait3A_36 = arith.constant 0 : i32
    %dma_wait3A_37 = arith.constant 0 : i32
    %dma_wait3A_38 = tpu.memref_slice %arg3[%dma_wait3A_36, %dma_wait3A_37] : memref<100000x1024xf32, #tpu.memory_space<hbm>> -> memref<100000x1024xf32, #tpu.memory_space<hbm>>
    tpu.wait_indirect_dma semaphore(%arg10 : memref<!tpu.dma_semaphore, #tpu.memory_space<semaphore_mem>>) src(%dma_wait3A_38 : memref<100000x1024xf32, #tpu.memory_space<hbm>>) dst(%arg7 : memref<32x1024xf32, #tpu.memory_space<vmem>>)
    %add3A_39 = arith.constant 992 : i32
    %add3A_40 = arith.addi %mul3A_2, %add3A_39 : i32
    %dma_start3A_41 = arith.constant 0 : i32
    %dma_start3A_42 = tpu.memref_slice %arg4[%add3A_40, %dma_start3A_41] : memref<32768x1024xf32, #tpu.memory_space<hbm>> -> memref<32x1024xf32, #tpu.memory_space<hbm>>
    %dma_start3A_43 = arith.constant 0 : i32
    %dma_start3A_44 = tpu.memref_slice %arg4[%add3A_40, %dma_start3A_43] : memref<32768x1024xf32, #tpu.memory_space<hbm>> -> memref<32x1024xf32, #tpu.memory_space<hbm>>
    tpu.enqueue_dma source(%arg7 : memref<32x1024xf32, #tpu.memory_space<vmem>>) target(%dma_start3A_44 : memref<32x1024xf32, #tpu.memory_space<hbm>>) target_semaphore(%arg13 : memref<!tpu.dma_semaphore, #tpu.memory_space<semaphore_mem>>)
    %dma_wait3A_45 = arith.constant 0 : i32
    %dma_wait3A_46 = tpu.memref_slice %arg4[%mul3A_2, %dma_wait3A_45] : memref<32768x1024xf32, #tpu.memory_space<hbm>> -> memref<32x1024xf32, #tpu.memory_space<hbm>>
    %dma_wait3A_47 = arith.constant 0 : i32
    %dma_wait3A_48 = tpu.memref_slice %arg4[%mul3A_2, %dma_wait3A_47] : memref<32768x1024xf32, #tpu.memory_space<hbm>> -> memref<32x1024xf32, #tpu.memory_space<hbm>>
    tpu.wait_dma2 semaphore(%arg12 : memref<!tpu.dma_semaphore, #tpu.memory_space<semaphore_mem>>) src(%arg6 : memref<32x1024xf32, #tpu.memory_space<vmem>>) dst(%dma_wait3A_48 : memref<32x1024xf32, #tpu.memory_space<hbm>>)
    %dma_wait3A_49 = arith.constant 0 : i32
    %dma_wait3A_50 = tpu.memref_slice %arg4[%mul3A_2, %dma_wait3A_49] : memref<32768x1024xf32, #tpu.memory_space<hbm>> -> memref<32x1024xf32, #tpu.memory_space<hbm>>
    %dma_wait3A_51 = arith.constant 0 : i32
    %dma_wait3A_52 = tpu.memref_slice %arg4[%mul3A_2, %dma_wait3A_51] : memref<32768x1024xf32, #tpu.memory_space<hbm>> -> memref<32x1024xf32, #tpu.memory_space<hbm>>
    tpu.wait_dma2 semaphore(%arg13 : memref<!tpu.dma_semaphore, #tpu.memory_space<semaphore_mem>>) src(%arg7 : memref<32x1024xf32, #tpu.memory_space<vmem>>) dst(%dma_wait3A_52 : memref<32x1024xf32, #tpu.memory_space<hbm>>)
    %dma_wait3A_53 = arith.constant 0 : i32
    %dma_wait3A_54 = tpu.memref_slice %arg4[%mul3A_2, %dma_wait3A_53] : memref<32768x1024xf32, #tpu.memory_space<hbm>> -> memref<32x1024xf32, #tpu.memory_space<hbm>>
    %dma_wait3A_55 = arith.constant 0 : i32
    %dma_wait3A_56 = tpu.memref_slice %arg4[%mul3A_2, %dma_wait3A_55] : memref<32768x1024xf32, #tpu.memory_space<hbm>> -> memref<32x1024xf32, #tpu.memory_space<hbm>>
    tpu.wait_dma2 semaphore(%arg14 : memref<!tpu.dma_semaphore, #tpu.memory_space<semaphore_mem>>) src(%arg8 : memref<32x1024xf32, #tpu.memory_space<vmem>>) dst(%dma_wait3A_56 : memref<32x1024xf32, #tpu.memory_space<hbm>>)
    return
  }
}

</mosaic_0001>

<sc_bundles>
// kernel: kernel.3.cloned.1.call-start
scs
__scs_entry_jumppad:
0x0: {  	(pc) =	sbr.rel $0x88, $3  }
0x1: {  	(tag) =	ssettag $0x0;
	lr =	simm.s32 $0x1  }
0x2: {  	[smem:$0x3F9F] =	sst lr;
	_ =	strace $0xD0000000  }
0x3: {  	_ = 	snop  }
0x4: {  	_ = 	snop  }
0x5: {  	_ = 	snop  }
0x6: {  	_ = 	snop  }
0x7: {  	_ = 	snop  }
__scs_overlays_trampoline_lowered:
0x8: {  	[smem:$0x3FAE] =	sst s0  }
0x9: {  	[smem:$0x3FAF] =	sst s1  }
0xa: {  	[smem:$0x3FB0] =	sst s2  }
0xb: {  	[smem:$0x3FB1] =	sst s3  }
0xc: {  	[smem:$0x3FB2] =	sst s4  }
0xd: {  	[smem:$0x3FB3] =	sst s5  }
0xe: {  	[smem:$0x3FB4] =	sst s6  }
0xf: {  	[smem:$0x3FB5] =	sst s7  }
0x10: {  	[smem:$0x3FB6] =	sst s8  }
0x11: {  	[smem:$0x3FB7] =	sst s9;
	s0 =	simm.s32 @!p0 $0x0  }
0x12: {  	s1 =	sld [smem:$0x3F9D];
	s0 =	simm.s32 @p0 $0x1  }
0x13: {  	[smem:$0x3FB8] =	sst s0;
	s0 =	simm.s32 @!p1 $0x0  }
0x14: {  	s2 =	sld [smem:$0x3F9C];
	s0 =	simm.s32 @p1 $0x1  }
0x15: {  	[smem:$0x3FB9] =	sst s0;
	s0 =	simm.s32 @!p2 $0x0  }
0x16: {  	s3 =	sld [smem:$0x3FDB];
	s0 =	simm.s32 @p2 $0x1  }
0x17: {  	s4 =	simm.s32 $0x1BF5;
	[smem:$0x3FBB] =	sst s0  }
0x18: {  	s0 =	sld [smem:$0x3F9E];
	_ =	swait.ge [sflag:s4], $0x0  }
0x19: {  	s7 =	sld [smem:$0x3F9F]  }
0x1a: {  	s8 =	sadd.s32 $0xFFFFE003, lr  }
0x1b: {  	s9 =	sadd.s32 $0xFFFFFEF7, lr;
	s5 =	simm.s32 $0xFFFFFFFF;
	p2 =	slt.u32 s8, $0xFFFFF086  }
0x1c: {  	p1 =	slt.u32 s9, $0xF7A;
	s5 =	simm.s32 @!p2 $0x0  }
0x1d: {  	s5 =	simm.s32 @p1 $0x1;
	p0 =	seq.s32 s7, s2  }
0x1e: {  	s7 =	smul.u32 @!p0 $0xF7A, s2;
	p2 =	seq.s32 @!p0 s5, $0x0  }
0x1f: {  	s9 =	smul.u32 $0xF7A, s1;
	s8 =	simm.s32 @!p0 $0x1BF5;
	p2 =	por !p2, p0  }
0x20: {  	[sflag:s8] =	ssyncset.s32 @!p0 $0xFFFFF086;
	s6 =	sadd.s32 @!p0 s3, s7;
	s7 =	simm.s32 @!p0 $0x108  }
0x21: {  	s3 =	sadd.s32 s3, s9;
	s6 =	sadd.s32 @!p0 $0x88, s6;
	s7 =	simm.s32 @p2 $0x1082  }
0x22: {  	[simem:s7], [sflag:s8] =	dma.local @!p0 [hbm:s6], $0xF7A  }
0x23: {  	s9 =	sor.u32 $0xD0000000, s2;
	s6 =	simm.s32 $0x108;
	_ =	swait.ge @!p0 [sflag:s8], $0x0  }
0x24: {  	s3 =	sadd.s32 $0x88, s3;
	s6 =	simm.s32 @!p1 $0x1082;
	[sflag:s4] =	ssyncset.s32 $0xFFFFF086  }
0x25: {  	[simem:s6], [sflag:s4] =	dma.local [hbm:s3], $0xF7A  }
0x26: {  	[smem:$0x3F9F] =	sst s1;
	(tag) =	ssettag s2;
	_ =	strace s9  }
0x27: {  	s1 =	sld [smem:$0x3FAF]  }
0x28: {  	s2 =	sld [smem:$0x3FB0]  }
0x29: {  	s4 =	sld [smem:$0x3FB2]  }
0x2a: {  	p0 =	seq.s32 s5, $0x0;
	s5 =	sld [smem:$0x3FB3]  }
0x2b: {  	s6 =	sld [smem:$0x3FB4]  }
0x2c: {  	s7 =	sld [smem:$0x3FB5]  }
0x2d: {  	s3 =	simm.s32 $0x108;
	s8 =	sld [smem:$0x3FB6]  }
0x2e: {  	s3 =	simm.s32 @!p0 $0x1082;
	s9 =	sld [smem:$0x3FB7]  }
0x2f: {  	lr =	sadd.s32 s0, s3;
	s0 =	sld [smem:$0x3FAE]  }
0x30: {  	s3 =	sld [smem:$0x3FB1]  }
0x31: {  	[smem:$0x3FBA] =	sst s10  }
0x32: {  	s10 =	sld [smem:$0x3FB8];
	_ =	sdelay $0x3  }
0x33: {  	p0 =	seq.s32 s10, $0x1;
	s10 =	sld [smem:$0x3FBA];
	_ =	sdelay $0x3  }
0x34: {  	[smem:$0x3FBA] =	sst s10  }
0x35: {  	s10 =	sld [smem:$0x3FB9];
	_ =	sdelay $0x3  }
0x36: {  	p1 =	seq.s32 s10, $0x1;
	s10 =	sld [smem:$0x3FBA];
	_ =	sdelay $0x3  }
0x37: {  	[smem:$0x3FBA] =	sst s10  }
0x38: {  	s10 =	sld [smem:$0x3FBB]  }
0x39: {  	_ = 	snop;
	(pc) =	sbr.ind lr, $3  }
0x3a: {  	_ = 	snop  }
0x3b: {  	_ = 	snop  }
0x3c: {  	p2 =	seq.s32 s10, $0x1;
	s10 =	sld [smem:$0x3FBA]  }
0x3d: {  	_ =	shalt  }
0x3e: {  	_ =	shalt  }
0x3f: {  	_ =	shalt  }
0x40: {  	_ =	shalt  }
0x41: {  	_ =	shalt  }
0x42: {  	_ =	shalt  }
0x43: {  	_ =	shalt  }
0x44: {  	_ =	shalt  }
0x45: {  	_ =	shalt  }
0x46: {  	_ =	shalt  }
0x47: {  	_ =	shalt  }
0x48: {  	_ =	shalt  }
0x49: {  	_ =	shalt  }
0x4a: {  	_ =	shalt  }
0x4b: {  	_ =	shalt  }
0x4c: {  	_ =	shalt  }
0x4d: {  	_ =	shalt  }
0x4e: {  	_ =	shalt  }
0x4f: {  	_ =	shalt  }
0x50: {  	_ =	shalt  }
0x51: {  	_ =	shalt  }
0x52: {  	_ =	shalt  }
0x53: {  	_ =	shalt  }
0x54: {  	_ =	shalt  }
0x55: {  	_ =	shalt  }
0x56: {  	_ =	shalt  }
0x57: {  	_ =	shalt  }
0x58: {  	_ =	shalt  }
0x59: {  	_ =	shalt  }
0x5a: {  	_ =	shalt  }
0x5b: {  	_ =	shalt  }
0x5c: {  	_ =	shalt  }
0x5d: {  	_ =	shalt  }
0x5e: {  	_ =	shalt  }
0x5f: {  	_ =	shalt  }
0x60: {  	_ =	shalt  }
0x61: {  	_ =	shalt  }
0x62: {  	_ =	shalt  }
0x63: {  	_ =	shalt  }
0x64: {  	_ =	shalt  }
0x65: {  	_ =	shalt  }
0x66: {  	_ =	shalt  }
0x67: {  	_ =	shalt  }
0x68: {  	_ =	shalt  }
0x69: {  	_ =	shalt  }
0x6a: {  	_ =	shalt  }
0x6b: {  	_ =	shalt  }
0x6c: {  	_ =	shalt  }
0x6d: {  	_ =	shalt  }
0x6e: {  	_ =	shalt  }
0x6f: {  	_ =	shalt  }
0x70: {  	_ =	shalt  }
0x71: {  	_ =	shalt  }
0x72: {  	_ =	shalt  }
0x73: {  	_ =	shalt  }
0x74: {  	_ =	shalt  }
0x75: {  	_ =	shalt  }
0x76: {  	_ =	shalt  }
0x77: {  	_ =	shalt  }
0x78: {  	_ =	shalt  }
0x79: {  	_ =	shalt  }
0x7a: {  	_ =	shalt  }
0x7b: {  	_ =	shalt  }
0x7c: {  	_ =	shalt  }
0x7d: {  	_ =	shalt  }
0x7e: {  	_ =	shalt  }
0x7f: {  	_ =	shalt  }
0x80: {  	_ =	shalt  }
0x81: {  	_ =	shalt  }
0x82: {  	_ =	shalt  }
0x83: {  	_ =	shalt  }
0x84: {  	_ =	shalt  }
0x85: {  	_ =	shalt  }
0x86: {  	_ =	shalt  }
0x87: {  	_ =	shalt  }
.Lfunc_end0:
.L_simem_size_0:
called_computation_lowered:
.L_overlay_start_0:
0x88: {  	s2 =	sld [smem:$0x3FD9]  }
0x89: {  	s3 =	sld [smem:$0x3FFE];
	_ =	sdelay $0x1  }
0x8a: {  	s1 =	srdreg.scid  }
0x8b: {  	s0 =	sand.u32 $0x1, s1  }
0x8c: {  	s17 =	sshll.u32 s0, $0xA;
	s2 =	sadd.s32 s3, s2  }
0x8d: {  	s2 =	sadd.s32 s2, s17  }
0x8e: {  	[smem:$0x3FC6] =	sst s2  }
0x8f: {  	_ = 	snop  }
0x90: {  	s2 =	sld [smem:$0x3FC8]  }
0x91: {  	s18 =	sld [smem:$0x3FD0];
	(tm) =	ssettm $0x1  }
0x92: {  	s4 =	sld [smem:$0x3FFB];
	_ =	sdelay $0x3  }
0x93: {  	_ =	strace s4  }
0x94: {  	s4 =	sld [smem:$0x3FFC];
	_ =	sdelay $0x3  }
0x95: {  	_ =	strace s4  }
0x96: {  	s4 =	sld [smem:$0x3FFD];
	_ =	sdelay $0x3  }
0x97: {  	_ =	strace s4  }
0x98: {  	_ =	strace $0x8FFFFFFF  }
0x99: {  	s19 =	sld [smem:$0x3FDB];
	_ =	sdelay $0x1  }
0x9a: {  	s5 =	simm.s32 $_scs_section_size  }
0x9b: {  	s6 =	simm.s32 $_size__tile_overlayer_lowered;
	s7 =	simm.s32 $_tile_overlayer_lowered  }
0x9c: {  	s22 =	simm.s32 $0x1BFF;
	s21 =	sshll.u32 s7, $0x1;
	s4 =	sadd.s32 s5, s19  }
0x9d: {  	s8 =	simm.s32 $0x0;
	s20 =	sshll.u32 s6, $0x1;
	s6 =	sadd.s32 s21, s4  }
0x9e: {  	[timem:s8], [sflag:s22] =	dma.local [hbm:s6], s20  }
0x9f: {  	_ =	swait.ge [sflag:s22], s20  }
0xa0: {  	s5 =	ssub.s32 $0x0, s20;
	[sflag:s22] =	ssyncset.done $0x0  }
0xa1: {  	[sflag:s22] =	ssyncadd.s32 s5;
	_ =	sdelay $0x1  }
0xa2: {  	s23 =	simm.s32 $0x1B8B  }
0xa3: {  	_ =	swait.ge [sflag:s23], $0x1  }
0xa4: {  	[sflag:s23] =	ssyncset.done $0x0  }
0xa5: {  	s25 =	simm.s32 $0x1B8E;
	s24 =	sld [smem:$0x3FFE];
	[sflag:s23] =	ssyncadd.s32 $0xFFFFFFFF  }
0xa6: {  	s26 =	simm.s32 $execute0_lowered;
	[smem:$0x3FD2] =	sst s25  }
0xa7: {  	s6 =	sshll.u32 s26, $0x1;
	_ =	strace $0x80000046;
	[dreg:$0x1] =	wrdreg $0xFFFFFFFF  }
0xa8: {  	s28 =	simm.s32 $_size_execute0_lowered;
	s4 =	sadd.s32 s4, s6;
	[dreg:$0x0] =	wrdreg $0x0  }
0xa9: {  	s6 =	sshll.u32 s28, $0x1;
	[dreg:$0x2] =	wrdreg s4  }
0xaa: {  	[dreg:$0x3] =	wrdreg s6  }
0xab: {  	[dreg:$0x4] =	wrdreg $0xC0  }
0xac: {  	_ =	task [dreg:s8], $0x5FFFF  }
0xad: {  	[dreg:$0x1] =	wrdreg $0xFFFFFFFF  }
0xae: {  	[dreg:$0x0] =	wrdreg $0x60  }
0xaf: {  	[dreg:$0x2] =	wrdreg s24  }
0xb0: {  	[dreg:$0x3] =	wrdreg s2  }
0xb1: {  	[dreg:$0x4] =	wrdreg s18  }
0xb2: {  	[dreg:$0x5] =	wrdreg $0x9  }
0xb3: {  	_ =	task.clear_ibuf [dreg:s8], $0x6FFFF;
	_ =	strace $0x90000046  }
0xb4: {  	s29 =	simm.s32 $0x9;
	_ =	strace $0x80000048  }
0xb5: {  	_ =	swait.ge [sflag:s29], $0x1  }
0xb6: {  	[sflag:s29] =	ssyncadd.s32 $0xFFFFFFFF  }
0xb7: {  	_ =	strace $0x90000048  }
0xb8: {  	_ =	sfence  }
0xb9: {  	s30 =	sld [smem:$0x0];
	_ =	sdelay $0x2  }
0xba: {  	s31 =	sshll.u32 s1, $0xD;
	s1 =	sshrl.u32 s1, $0x2  }
0xbb: {  	s3 =	sand.u32 $0x4000, s31;
	s1 =	sadd.s32 s1, s30  }
0xbc: {  	s0 =	sor.u32 s3, s0;
	s1 =	sshll.u32 s1, $0x11  }
0xbd: {  	s0 =	sor.u32 s1, s0  }
0xbe: {  	s0 =	sadd.s32 $0x8F2B, s0  }
0xbf: {  	[sflag:s0] =	ssyncadd.remote.s32 $0x1  }
0xc0: {  	_ =	sfence.sel $0xFFFF  }
0xc1: {  	[dreg:$0x0] =	wrdreg $0xFFFFFFFF;
	(pc) =	sbr.abs _section_cstart, $3  }
0xc2: {  	[dreg:$0x1] =	wrdreg $0xFFFFFFFF  }
0xc3: {  	_ =	task.clear_ibuf [dreg:s8], $0x2FFFF;
	_ =	strace $0x9FFFFFFF  }
0xc4: {  	(tm) =	ssettm $0x7FFFFFFF  }
0xc5: {  	_ =	shalt  }
tec
execute0_lowered:
.L_overlay_start_1:
0x0: {  	(tag) =	ssettag $0x1  }
0x1: {  	s0 =	rddreg [dreg:$0x0]  }
0x2: {  	s2 =	rddreg [dreg:$0x1]  }
0x3: {  	s1 =	srdreg.scid;
	s9 =	stileid.u32  }
0x4: {  	s4 =	rddreg [dreg:$0x2];
	s11 =	simm.s32 $0x12000;
	s13 =	simm.s32 $0x12800  }
0x5: {  	s14 =	simm.s32 $0x13000;
	s1 =	sand.u32 $0x1, s1;
	s3 =	sshll.u32 s9, $0x1  }
0x6: {  	s15 =	simm.s32 $0x13800;
	s7 =	sor.u32 s1, s3;
	s3 =	simm.s32 $0x0  }
0x7: {  	s24 =	sshll.u32 s9, $0x12;
	s9 =	simm.s32 $0x11800;
	[smem:$0x7FF] =	sst s3  }
0x8: {  	s16 =	simm.s32 $0x14000;
	_ =	strace $0x80000047;
	[dreg:$0x5] =	wrdreg s9  }
0x9: {  	s17 =	simm.s32 $0x14800;
	s28 =	simm.s32 $0x2800;
	[dreg:$0x6] =	wrdreg s11  }
0xa: {  	s18 =	simm.s32 $0x15000;
	s19 =	simm.s32 $0x15800;
	[dreg:$0x7] =	wrdreg s13  }
0xb: {  	s20 =	simm.s32 $0x16000;
	s21 =	simm.s32 $0x16800;
	[dreg:$0x8] =	wrdreg s14  }
0xc: {  	s22 =	simm.s32 $0x17000;
	s29 =	simm.s32 $0x9000;
	[dreg:$0x9] =	wrdreg s15  }
0xd: {  	s30 =	simm.s32 $0x9800;
	s31 =	simm.s32 $0xA000;
	[dreg:$0xa] =	wrdreg s16  }
0xe: {  	s6 =	ssub.s32 $0x2, s1;
	s1 =	sshll.u32 s1, $0x11;
	[dreg:$0xb] =	wrdreg s17  }
0xf: {  	s5 =	sshll.u32 s7, $0x9;
	s23 =	sshrl.u32 s6, $0x1;
	[dreg:$0xc] =	wrdreg s18  }
0x10: {  	s25 =	sshll.u32 s7, $0x11;
	s7 =	sadd.s32 $0x300, s2;
	[dreg:$0xd] =	wrdreg s19  }
0x11: {  	s0 =	sadd.s32 s5, s0;
	s8 =	ssub.s32 s6, s23;
	[dreg:$0xe] =	wrdreg s20  }
0x12: {  	s5 =	sadd.s32 $0x100, s2;
	s6 =	sadd.s32 $0x200, s2;
	[dreg:$0xf] =	wrdreg s21  }
0x13: {  	s9 =	simm.s32 $0x4000;
	s11 =	simm.s32 $0x5000;
	[dreg:$0x10] =	wrdreg s22  }
0x14: {  	s23 =	simm.s32 $0x17800;
	s13 =	simm.s32 $0x5800;
	s14 =	simm.s32 $0x6000  }
0x15: {  	s15 =	simm.s32 $0x6800;
	s16 =	simm.s32 $0x7000;
	s17 =	simm.s32 $0x8000  }
0x16: {  	s18 =	simm.s32 $0x8800;
	s19 =	simm.s32 $0x11000;
	s20 =	simm.s32 $0x1  }
0x17: {  	s21 =	simm.s32 $0x4;
	s22 =	simm.s32 $0x2;
	s0 =	sadd.s32 $0x400, s0  }
0x18: {  	s12 =	smax.u32 s8, $0x1;
	s8 =	simm.s32 $0x3800;
	[dreg:$0x11] =	wrdreg s23  }
0x19: {  	s23 =	simm.s32 $0x5;
	[dreg:$0x14] =	wrdreg s0;
	s0 =	sadd.s32 s24, s4  }
0x1a: {  	s4 =	sadd.s32 s25, s4;
	[dreg:$0x17] =	wrdreg s12;
	s24 =	simm.s32 $0x18000  }
0x1b: {  	s12 =	simm.s32 $0x1000;
	s25 =	simm.s32 $0x18800;
	[dreg:$0x12] =	wrdreg s24  }
0x1c: {  	s0 =	sadd.s32 s1, s0;
	s26 =	sadd.s32 $0x1E000, s4;
	[dreg:$0x13] =	wrdreg s25  }
0x1d: {  	s10 =	sadd.s32 $0x1F000, s4;
	s1 =	simm.s32 $0x2000;
	[dreg:$0x15] =	wrdreg s26  }
0x1e: {  	v2 =	vlaneseq.u32;
	s4 =	simm.s32 $0x3000;
	s24 =	simm.s32 $0x3;
	[dreg:$0x4] =	wrdreg s0  }
0x1f: {  	vm0 =	vmmov $0xffff;
	v1 =	vshrl.u32 v2, $0x3;
	s25 =	simm.s32 $0x0;
	[dreg:$0x16] =	wrdreg s10;
	s26 =	simm.s32 $0x1800  }
0x20: {  	v0 =	vand.u32 $0x7, v2;
	v2 =	vor.u32 $0x8, v2;
	v1 =	vmul.u32 $0x8, v1;
	s10 =	simm.s32 $0x4800;
	s0 =	simm.s32 $0x7800;
	[dreg:$0x18] =	wrdreg s25  }
.LBB2_1:
0x21: {  	s25 =	rddreg [dreg:$0x14]  }
0x22: {  	[tilespmem:s3], [sflag:$0x7] =	stream.linear.gather [hbm4b:s25+s3], $0x1000, $0x38;
	[tilespmem:$0x19000] =	vst v63  }
0x23: {  	s25 =	simm.s32 $0x7  }
0x24: {  	_ =	swait.ge [sflag:s25], $0x1000  }
0x25: {  	[sflag:s25] =	ssyncset.done $0x0  }
0x26: {  	[sflag:s25] =	ssyncadd.s32 $0xFFFFF000  }
0x27: {  	v3 =	vld [tilespmem:$0x0];
	_ =	sdelay $0x4  }
0x28: {  	v4 =	vshll.u32 v3, $0x3  }
0x29: {  	v3 =	vand.u32 $0x7, v3;
	v4 =	vand.u32 $0xFFFFFFC0, v4  }
0x2a: {  	v3 =	vor.u32 v3, v4  }
0x2b: {  	v4 =	vperm.xlane v3, v0;
	_ =	sdelay $0x1  }
0x2c: {  	v4 =	vadd.s32 v1, v4;
	_ =	sdelay $0x4  }
0x2d: {  	[tilespmem:s12], [sflag:$0x1] =	stream.indirect_vreg.gather [hbm4b:s2+s3], $0x80, v4, vm0, $0xb8;
	[tilespmem:$0x19000] =	vst v63  }
0x2e: {  	v3 =	vperm.xlane v3, v2  }
0x2f: {  	[tilespmem:s26], [sflag:$0x1] =	stream.indirect_vreg.gather [hbm4b:s5+s3], $0x80, v4, vm0, $0xb8;
	[tilespmem:$0x19000] =	vst v63  }
0x30: {  	v3 =	vadd.s32 v1, v3  }
0x31: {  	[tilespmem:s1], [sflag:$0x1] =	stream.indirect_vreg.gather [hbm4b:s6+s3], $0x80, v4, vm0, $0xb8;
	[tilespmem:$0x19000] =	vst v63  }
0x32: {  	_ = 	snop  }
0x33: {  	[tilespmem:s28], [sflag:$0x1] =	stream.indirect_vreg.gather [hbm4b:s7+s3], $0x80, v4, vm0, $0xb8;
	[tilespmem:$0x19000] =	vst v63  }
0x34: {  	_ = 	snop  }
0x35: {  	[tilespmem:s4], [sflag:$0x1] =	stream.indirect_vreg.gather [hbm4b:s2+s3], $0x80, v3, vm0, $0xb8;
	[tilespmem:$0x19000] =	vst v63  }
0x36: {  	_ = 	snop  }
0x37: {  	[tilespmem:s8], [sflag:$0x1] =	stream.indirect_vreg.gather [hbm4b:s5+s3], $0x80, v3, vm0, $0xb8;
	[tilespmem:$0x19000] =	vst v63  }
0x38: {  	_ = 	snop  }
0x39: {  	[tilespmem:s9], [sflag:$0x1] =	stream.indirect_vreg.gather [hbm4b:s6+s3], $0x80, v3, vm0, $0xb8;
	[tilespmem:$0x19000] =	vst v63  }
0x3a: {  	_ = 	snop  }
0x3b: {  	[tilespmem:s10], [sflag:$0x1] =	stream.indirect_vreg.gather [hbm4b:s7+s3], $0x80, v3, vm0, $0xb8;
	[tilespmem:$0x19000] =	vst v63  }
0x3c: {  	v3 =	vld [tilespmem:$0x10];
	_ =	sdelay $0x4  }
0x3d: {  	v61 =	vshll.u32 v3, $0x3  }
0x3e: {  	v3 =	vand.u32 $0x7, v3;
	v4 =	vand.u32 $0xFFFFFFC0, v61  }
0x3f: {  	v3 =	vor.u32 v3, v4  }
0x40: {  	v4 =	vperm.xlane v3, v0;
	_ =	sdelay $0x1  }
0x41: {  	v4 =	vadd.s32 v1, v4;
	_ =	sdelay $0x4  }
0x42: {  	[tilespmem:s11], [sflag:$0x1] =	stream.indirect_vreg.gather [hbm4b:s2+s3], $0x80, v4, vm0, $0xb8;
	[tilespmem:$0x19000] =	vst v63  }
0x43: {  	v3 =	vperm.xlane v3, v2  }
0x44: {  	[tilespmem:s13], [sflag:$0x1] =	stream.indirect_vreg.gather [hbm4b:s5+s3], $0x80, v4, vm0, $0xb8;
	[tilespmem:$0x19000] =	vst v63  }
0x45: {  	v3 =	vadd.s32 v1, v3  }
0x46: {  	[tilespmem:s14], [sflag:$0x1] =	stream.indirect_vreg.gather [hbm4b:s6+s3], $0x80, v4, vm0, $0xb8;
	[tilespmem:$0x19000] =	vst v63  }
0x47: {  	_ = 	snop  }
0x48: {  	[tilespmem:s15], [sflag:$0x1] =	stream.indirect_vreg.gather [hbm4b:s7+s3], $0x80, v4, vm0, $0xb8;
	[tilespmem:$0x19000] =	vst v63  }
0x49: {  	_ = 	snop  }
0x4a: {  	[tilespmem:s16], [sflag:$0x1] =	stream.indirect_vreg.gather [hbm4b:s2+s3], $0x80, v3, vm0, $0xb8;
	[tilespmem:$0x19000] =	vst v63  }
0x4b: {  	_ = 	snop  }
0x4c: {  	[tilespmem:s0], [sflag:$0x1] =	stream.indirect_vreg.gather [hbm4b:s5+s3], $0x80, v3, vm0, $0xb8;
	[tilespmem:$0x19000] =	vst v63  }
0x4d: {  	_ = 	snop  }
0x4e: {  	[tilespmem:s17], [sflag:$0x1] =	stream.indirect_vreg.gather [hbm4b:s6+s3], $0x80, v3, vm0, $0xb8;
	[tilespmem:$0x19000] =	vst v63  }
0x4f: {  	_ = 	snop  }
0x50: {  	[tilespmem:s18], [sflag:$0x1] =	stream.indirect_vreg.gather [hbm4b:s7+s3], $0x80, v3, vm0, $0xb8;
	[tilespmem:$0x19000] =	vst v63  }
0x51: {  	v3 =	vld [tilespmem:$0x80];
	_ =	sdelay $0x4  }
0x52: {  	v62 =	vshll.u32 v3, $0x3  }
0x53: {  	v3 =	vand.u32 $0x7, v3;
	v4 =	vand.u32 $0xFFFFFFC0, v62  }
0x54: {  	v3 =	vor.u32 v3, v4  }
0x55: {  	v4 =	vperm.xlane v3, v0;
	_ =	sdelay $0x1  }
0x56: {  	v4 =	vadd.s32 v1, v4;
	_ =	sdelay $0x4  }
0x57: {  	[tilespmem:s29], [sflag:$0x2] =	stream.indirect_vreg.gather [hbm4b:s2+s3], $0x80, v4, vm0, $0xb8;
	[tilespmem:$0x19000] =	vst v63  }
0x58: {  	v3 =	vperm.xlane v3, v2  }
0x59: {  	[tilespmem:s30], [sflag:$0x2] =	stream.indirect_vreg.gather [hbm4b:s5+s3], $0x80, v4, vm0, $0xb8;
	[tilespmem:$0x19000] =	vst v63  }
0x5a: {  	v3 =	vadd.s32 v1, v3  }
0x5b: {  	[tilespmem:s31], [sflag:$0x2] =	stream.indirect_vreg.gather [hbm4b:s6+s3], $0x80, v4, vm0, $0xb8;
	[tilespmem:$0x19000] =	vst v63  }
0x5c: {  	s11 =	simm.s32 $0xA800  }
0x5d: {  	[tilespmem:s11], [sflag:$0x2] =	stream.indirect_vreg.gather [hbm4b:s7+s3], $0x80, v4, vm0, $0xb8;
	[tilespmem:$0x19000] =	vst v63  }
0x5e: {  	s13 =	simm.s32 $0xB000  }
0x5f: {  	[tilespmem:s13], [sflag:$0x2] =	stream.indirect_vreg.gather [hbm4b:s2+s3], $0x80, v3, vm0, $0xb8;
	[tilespmem:$0x19000] =	vst v63  }
0x60: {  	s14 =	simm.s32 $0xB800  }
0x61: {  	[tilespmem:s14], [sflag:$0x2] =	stream.indirect_vreg.gather [hbm4b:s5+s3], $0x80, v3, vm0, $0xb8;
	[tilespmem:$0x19000] =	vst v63  }
0x62: {  	s15 =	simm.s32 $0xC000  }
0x63: {  	[tilespmem:s15], [sflag:$0x2] =	stream.indirect_vreg.gather [hbm4b:s6+s3], $0x80, v3, vm0, $0xb8;
	[tilespmem:$0x19000] =	vst v63  }
0x64: {  	s16 =	simm.s32 $0xC800  }
0x65: {  	[tilespmem:s16], [sflag:$0x2] =	stream.indirect_vreg.gather [hbm4b:s7+s3], $0x80, v3, vm0, $0xb8;
	[tilespmem:$0x19000] =	vst v63  }
0x66: {  	v3 =	vld [tilespmem:$0x90];
	_ =	sdelay $0x4  }
0x67: {  	v63 =	vshll.u32 v3, $0x3  }
0x68: {  	v3 =	vand.u32 $0x7, v3;
	v4 =	vand.u32 $0xFFFFFFC0, v63  }
0x69: {  	v3 =	vor.u32 v3, v4  }
0x6a: {  	v4 =	vperm.xlane v3, v0;
	_ =	sdelay $0x1  }
0x6b: {  	v4 =	vadd.s32 v1, v4;
	_ =	sdelay $0x3  }
0x6c: {  	s17 =	simm.s32 $0xD000  }
0x6d: {  	[tilespmem:s17], [sflag:$0x2] =	stream.indirect_vreg.gather [hbm4b:s2+s3], $0x80, v4, vm0, $0xb8;
	[tilespmem:$0x19000] =	vst v63  }
0x6e: {  	s25 =	simm.s32 $0xE000;
	s18 =	simm.s32 $0xD800;
	v3 =	vperm.xlane v3, v2  }
0x6f: {  	[tilespmem:s18], [sflag:$0x2] =	stream.indirect_vreg.gather [hbm4b:s5+s3], $0x80, v4, vm0, $0xb8;
	[tilespmem:$0x19000] =	vst v63  }
0x70: {  	s26 =	simm.s32 $0xE800;
	s1 =	simm.s32 $0x10000;
	s28 =	simm.s32 $0xF000;
	v3 =	vadd.s32 v1, v3  }
0x71: {  	[tilespmem:s25], [sflag:$0x2] =	stream.indirect_vreg.gather [hbm4b:s6+s3], $0x80, v4, vm0, $0xb8;
	[tilespmem:$0x19000] =	vst v63  }
0x72: {  	s4 =	simm.s32 $0x3000;
	s8 =	simm.s32 $0x3800;
	s9 =	simm.s32 $0x4000  }
0x73: {  	[tilespmem:s26], [sflag:$0x2] =	stream.indirect_vreg.gather [hbm4b:s7+s3], $0x80, v4, vm0, $0xb8;
	[tilespmem:$0x19000] =	vst v63  }
0x74: {  	s10 =	simm.s32 $0x4800;
	s30 =	simm.s32 $0xF800;
	s31 =	simm.s32 $0x8800  }
0x75: {  	[tilespmem:s28], [sflag:$0x2] =	stream.indirect_vreg.gather [hbm4b:s2+s3], $0x80, v3, vm0, $0xb8;
	[tilespmem:$0x19000] =	vst v63  }
0x76: {  	s11 =	simm.s32 $0x5000;
	s13 =	simm.s32 $0x5800;
	s14 =	simm.s32 $0x6000  }
0x77: {  	[tilespmem:s30], [sflag:$0x2] =	stream.indirect_vreg.gather [hbm4b:s5+s3], $0x80, v3, vm0, $0xb8;
	[tilespmem:$0x19000] =	vst v63  }
0x78: {  	s15 =	simm.s32 $0x6800;
	s16 =	simm.s32 $0x7000;
	s17 =	simm.s32 $0x7800  }
0x79: {  	[tilespmem:s1], [sflag:$0x2] =	stream.indirect_vreg.gather [hbm4b:s6+s3], $0x80, v3, vm0, $0xb8;
	[tilespmem:$0x19000] =	vst v63  }
0x7a: {  	s18 =	simm.s32 $0x10800;
	s25 =	simm.s32 $0x110;
	s26 =	simm.s32 $0x0  }
0x7b: {  	[tilespmem:s18], [sflag:$0x2] =	stream.indirect_vreg.gather [hbm4b:s7+s3], $0x80, v3, vm0, $0xb8;
	[tilespmem:$0x19000] =	vst v63  }
.LBB2_2:
0x7c: {  	p0 =	seq.s32 s26, $0x0  }
0x7d: {  	s28 =	simm.s32 @!p0 $0x6  }
0x7e: {  	_ =	swait.ge @!p0 [sflag:s28], $0x8000  }
0x7f: {  	[sflag:s28] =	ssyncset.done @!p0 $0x0  }
0x80: {  	[sflag:s28] =	ssyncadd.s32 @!p0 $0xFFFF8000  }
0x81: {  	v3 =	vld [tilespmem:s25+$0xFFFFFFF0];
	_ =	sdelay $0x4  }
0x82: {  	v4 =	vshll.u32 v3, $0x3  }
0x83: {  	v3 =	vand.u32 $0x7, v3;
	v4 =	vand.u32 $0xFFFFFFC0, v4  }
0x84: {  	v3 =	vor.u32 v3, v4  }
0x85: {  	v4 =	vperm.xlane v3, v0;
	_ =	sdelay $0x1  }
0x86: {  	v4 =	vadd.s32 v1, v4;
	_ =	sdelay $0x4  }
0x87: {  	[tilespmem:s19], [sflag:$0x3] =	stream.indirect_vreg.gather [hbm4b:s2+s3], $0x80, v4, vm0, $0xb8;
	[tilespmem:$0x19000] =	vst v63  }
0x88: {  	s0 =	rddreg [dreg:$0x5];
	v3 =	vperm.xlane v3, v2  }
0x89: {  	[tilespmem:s0], [sflag:$0x3] =	stream.indirect_vreg.gather [hbm4b:s5+s3], $0x80, v4, vm0, $0xb8;
	[tilespmem:$0x19000] =	vst v63  }
0x8a: {  	s30 =	rddreg [dreg:$0x6];
	v3 =	vadd.s32 v1, v3  }
0x8b: {  	[tilespmem:s30], [sflag:$0x3] =	stream.indirect_vreg.gather [hbm4b:s6+s3], $0x80, v4, vm0, $0xb8;
	[tilespmem:$0x19000] =	vst v63  }
0x8c: {  	s0 =	rddreg [dreg:$0x7]  }
0x8d: {  	[tilespmem:s0], [sflag:$0x3] =	stream.indirect_vreg.gather [hbm4b:s7+s3], $0x80, v4, vm0, $0xb8;
	[tilespmem:$0x19000] =	vst v63  }
0x8e: {  	s30 =	rddreg [dreg:$0x8]  }
0x8f: {  	[tilespmem:s30], [sflag:$0x3] =	stream.indirect_vreg.gather [hbm4b:s2+s3], $0x80, v3, vm0, $0xb8;
	[tilespmem:$0x19000] =	vst v63  }
0x90: {  	s0 =	rddreg [dreg:$0x9]  }
0x91: {  	[tilespmem:s0], [sflag:$0x3] =	stream.indirect_vreg.gather [hbm4b:s5+s3], $0x80, v3, vm0, $0xb8;
	[tilespmem:$0x19000] =	vst v63  }
0x92: {  	s30 =	rddreg [dreg:$0xa]  }
0x93: {  	[tilespmem:s30], [sflag:$0x3] =	stream.indirect_vreg.gather [hbm4b:s6+s3], $0x80, v3, vm0, $0xb8;
	[tilespmem:$0x19000] =	vst v63  }
0x94: {  	s0 =	rddreg [dreg:$0xb]  }
0x95: {  	[tilespmem:s0], [sflag:$0x3] =	stream.indirect_vreg.gather [hbm4b:s7+s3], $0x80, v3, vm0, $0xb8;
	[tilespmem:$0x19000] =	vst v63  }
0x96: {  	v3 =	vld [tilespmem:s25+$0x0];
	_ =	sdelay $0x4  }
0x97: {  	v59 =	vshll.u32 v3, $0x3  }
0x98: {  	v3 =	vand.u32 $0x7, v3;
	v4 =	vand.u32 $0xFFFFFFC0, v59  }
0x99: {  	v3 =	vor.u32 v3, v4  }
0x9a: {  	v4 =	vperm.xlane v3, v0;
	_ =	sdelay $0x1  }
0x9b: {  	v4 =	vadd.s32 v1, v4;
	_ =	sdelay $0x3  }
0x9c: {  	s0 =	rddreg [dreg:$0xc]  }
0x9d: {  	[tilespmem:s0], [sflag:$0x3] =	stream.indirect_vreg.gather [hbm4b:s2+s3], $0x80, v4, vm0, $0xb8;
	[tilespmem:$0x19000] =	vst v63  }
0x9e: {  	s30 =	rddreg [dreg:$0xd];
	v3 =	vperm.xlane v3, v2  }
0x9f: {  	[tilespmem:s30], [sflag:$0x3] =	stream.indirect_vreg.gather [hbm4b:s5+s3], $0x80, v4, vm0, $0xb8;
	[tilespmem:$0x19000] =	vst v63  }
0xa0: {  	v3 =	vadd.s32 v1, v3;
	s0 =	rddreg [dreg:$0xe]  }
0xa1: {  	[tilespmem:s0], [sflag:$0x3] =	stream.indirect_vreg.gather [hbm4b:s6+s3], $0x80, v4, vm0, $0xb8;
	[tilespmem:$0x19000] =	vst v63  }
0xa2: {  	s30 =	rddreg [dreg:$0xf]  }
0xa3: {  	[tilespmem:s30], [sflag:$0x3] =	stream.indirect_vreg.gather [hbm4b:s7+s3], $0x80, v4, vm0, $0xb8;
	[tilespmem:$0x19000] =	vst v63  }
0xa4: {  	s0 =	rddreg [dreg:$0x10]  }
0xa5: {  	[tilespmem:s0], [sflag:$0x3] =	stream.indirect_vreg.gather [hbm4b:s2+s3], $0x80, v3, vm0, $0xb8;
	[tilespmem:$0x19000] =	vst v63  }
0xa6: {  	s30 =	rddreg [dreg:$0x11]  }
0xa7: {  	[tilespmem:s30], [sflag:$0x3] =	stream.indirect_vreg.gather [hbm4b:s5+s3], $0x80, v3, vm0, $0xb8;
	[tilespmem:$0x19000] =	vst v63  }
0xa8: {  	s0 =	rddreg [dreg:$0x12]  }
0xa9: {  	[tilespmem:s0], [sflag:$0x3] =	stream.indirect_vreg.gather [hbm4b:s6+s3], $0x80, v3, vm0, $0xb8;
	[tilespmem:$0x19000] =	vst v63  }
0xaa: {  	s30 =	rddreg [dreg:$0x13]  }
0xab: {  	[tilespmem:s30], [sflag:$0x3] =	stream.indirect_vreg.gather [hbm4b:s7+s3], $0x80, v3, vm0, $0xb8;
	[tilespmem:$0x19000] =	vst v63  }
0xac: {  	_ =	swait.ge [sflag:s20], $0x8000  }
0xad: {  	s0 =	rddreg [dreg:$0x4];
	[sflag:s20] =	ssyncset.done $0x0  }
0xae: {  	[sflag:s20] =	ssyncadd.s32 $0xFFFF8000;
	s28 =	sadd.s32 s26, s0  }
0xaf: {  	[hbm4b:s28+s3] =	stream.linear.scatter [tilespmem:s12], [sflag:$0x4], $0x8000, $0x38;
	[tilespmem:$0x19000] =	vst v63  }
0xb0: {  	_ =	swait.ge [sflag:s21], $0x8000  }
0xb1: {  	[sflag:s21] =	ssyncset.done $0x0  }
0xb2: {  	[sflag:s21] =	ssyncadd.s32 $0xFFFF8000  }
0xb3: {  	v3 =	vld [tilespmem:s25+$0x70];
	_ =	sdelay $0x4  }
0xb4: {  	v60 =	vshll.u32 v3, $0x3  }
0xb5: {  	v3 =	vand.u32 $0x7, v3;
	v4 =	vand.u32 $0xFFFFFFC0, v60  }
0xb6: {  	v3 =	vor.u32 v3, v4  }
0xb7: {  	v4 =	vperm.xlane v3, v0;
	_ =	sdelay $0x1  }
0xb8: {  	v4 =	vadd.s32 v1, v4;
	_ =	sdelay $0x4  }
0xb9: {  	[tilespmem:s12], [sflag:$0x1] =	stream.indirect_vreg.gather [hbm4b:s2+s3], $0x80, v4, vm0, $0xb8;
	[tilespmem:$0x19000] =	vst v63  }
0xba: {  	s0 =	simm.s32 $0x1800;
	v3 =	vperm.xlane v3, v2  }
0xbb: {  	[tilespmem:s0], [sflag:$0x1] =	stream.indirect_vreg.gather [hbm4b:s5+s3], $0x80, v4, vm0, $0xb8;
	[tilespmem:$0x19000] =	vst v63  }
0xbc: {  	v3 =	vadd.s32 v1, v3;
	s0 =	simm.s32 $0x2000  }
0xbd: {  	[tilespmem:s0], [sflag:$0x1] =	stream.indirect_vreg.gather [hbm4b:s6+s3], $0x80, v4, vm0, $0xb8;
	[tilespmem:$0x19000] =	vst v63  }
0xbe: {  	s0 =	simm.s32 $0x2800  }
0xbf: {  	[tilespmem:s0], [sflag:$0x1] =	stream.indirect_vreg.gather [hbm4b:s7+s3], $0x80, v4, vm0, $0xb8;
	[tilespmem:$0x19000] =	vst v63  }
0xc0: {  	_ = 	snop  }
0xc1: {  	[tilespmem:s4], [sflag:$0x1] =	stream.indirect_vreg.gather [hbm4b:s2+s3], $0x80, v3, vm0, $0xb8;
	[tilespmem:$0x19000] =	vst v63  }
0xc2: {  	_ = 	snop  }
0xc3: {  	[tilespmem:s8], [sflag:$0x1] =	stream.indirect_vreg.gather [hbm4b:s5+s3], $0x80, v3, vm0, $0xb8;
	[tilespmem:$0x19000] =	vst v63  }
0xc4: {  	_ = 	snop  }
0xc5: {  	[tilespmem:s9], [sflag:$0x1] =	stream.indirect_vreg.gather [hbm4b:s6+s3], $0x80, v3, vm0, $0xb8;
	[tilespmem:$0x19000] =	vst v63  }
0xc6: {  	_ = 	snop  }
0xc7: {  	[tilespmem:s10], [sflag:$0x1] =	stream.indirect_vreg.gather [hbm4b:s7+s3], $0x80, v3, vm0, $0xb8;
	[tilespmem:$0x19000] =	vst v63  }
0xc8: {  	v3 =	vld [tilespmem:s25+$0x80];
	_ =	sdelay $0x4  }
0xc9: {  	v61 =	vshll.u32 v3, $0x3  }
0xca: {  	v3 =	vand.u32 $0x7, v3;
	v4 =	vand.u32 $0xFFFFFFC0, v61  }
0xcb: {  	v3 =	vor.u32 v3, v4  }
0xcc: {  	v4 =	vperm.xlane v3, v0;
	_ =	sdelay $0x1  }
0xcd: {  	v4 =	vadd.s32 v1, v4;
	_ =	sdelay $0x4  }
0xce: {  	[tilespmem:s11], [sflag:$0x1] =	stream.indirect_vreg.gather [hbm4b:s2+s3], $0x80, v4, vm0, $0xb8;
	[tilespmem:$0x19000] =	vst v63  }
0xcf: {  	v3 =	vperm.xlane v3, v2  }
0xd0: {  	[tilespmem:s13], [sflag:$0x1] =	stream.indirect_vreg.gather [hbm4b:s5+s3], $0x80, v4, vm0, $0xb8;
	[tilespmem:$0x19000] =	vst v63  }
0xd1: {  	v3 =	vadd.s32 v1, v3  }
0xd2: {  	[tilespmem:s14], [sflag:$0x1] =	stream.indirect_vreg.gather [hbm4b:s6+s3], $0x80, v4, vm0, $0xb8;
	[tilespmem:$0x19000] =	vst v63  }
0xd3: {  	_ = 	snop  }
0xd4: {  	[tilespmem:s15], [sflag:$0x1] =	stream.indirect_vreg.gather [hbm4b:s7+s3], $0x80, v4, vm0, $0xb8;
	[tilespmem:$0x19000] =	vst v63  }
0xd5: {  	_ = 	snop  }
0xd6: {  	[tilespmem:s16], [sflag:$0x1] =	stream.indirect_vreg.gather [hbm4b:s2+s3], $0x80, v3, vm0, $0xb8;
	[tilespmem:$0x19000] =	vst v63  }
0xd7: {  	_ = 	snop  }
0xd8: {  	[tilespmem:s17], [sflag:$0x1] =	stream.indirect_vreg.gather [hbm4b:s5+s3], $0x80, v3, vm0, $0xb8;
	[tilespmem:$0x19000] =	vst v63  }
0xd9: {  	s0 =	simm.s32 $0x8000  }
0xda: {  	[tilespmem:s0], [sflag:$0x1] =	stream.indirect_vreg.gather [hbm4b:s6+s3], $0x80, v3, vm0, $0xb8;
	[tilespmem:$0x19000] =	vst v63  }
0xdb: {  	_ = 	snop  }
0xdc: {  	[tilespmem:s31], [sflag:$0x1] =	stream.indirect_vreg.gather [hbm4b:s7+s3], $0x80, v3, vm0, $0xb8;
	[tilespmem:$0x19000] =	vst v63  }
0xdd: {  	_ =	swait.ge [sflag:s22], $0x8000  }
0xde: {  	[sflag:s22] =	ssyncset.done $0x0  }
0xdf: {  	s30 =	sadd.s32 $0x1000, s28;
	[sflag:s22] =	ssyncadd.s32 $0xFFFF8000  }
0xe0: {  	[hbm4b:s30+s3] =	stream.linear.scatter [tilespmem:s29], [sflag:$0x5], $0x8000, $0x38;
	[tilespmem:$0x19000] =	vst v63  }
0xe1: {  	_ =	swait.ge [sflag:s23], $0x8000  }
0xe2: {  	[sflag:s23] =	ssyncset.done $0x0  }
0xe3: {  	[sflag:s23] =	ssyncadd.s32 $0xFFFF8000  }
0xe4: {  	v3 =	vld [tilespmem:s25+$0xF0];
	_ =	sdelay $0x4  }
0xe5: {  	v62 =	vshll.u32 v3, $0x3  }
0xe6: {  	v3 =	vand.u32 $0x7, v3;
	v4 =	vand.u32 $0xFFFFFFC0, v62  }
0xe7: {  	v3 =	vor.u32 v3, v4  }
0xe8: {  	v4 =	vperm.xlane v3, v0;
	_ =	sdelay $0x1  }
0xe9: {  	v4 =	vadd.s32 v1, v4;
	_ =	sdelay $0x4  }
0xea: {  	[tilespmem:s29], [sflag:$0x2] =	stream.indirect_vreg.gather [hbm4b:s2+s3], $0x80, v4, vm0, $0xb8;
	[tilespmem:$0x19000] =	vst v63  }
0xeb: {  	s30 =	simm.s32 $0x9800;
	v3 =	vperm.xlane v3, v2  }
0xec: {  	[tilespmem:s30], [sflag:$0x2] =	stream.indirect_vreg.gather [hbm4b:s5+s3], $0x80, v4, vm0, $0xb8;
	[tilespmem:$0x19000] =	vst v63  }
0xed: {  	s0 =	simm.s32 $0xA000;
	v3 =	vadd.s32 v1, v3  }
0xee: {  	[tilespmem:s0], [sflag:$0x2] =	stream.indirect_vreg.gather [hbm4b:s6+s3], $0x80, v4, vm0, $0xb8;
	[tilespmem:$0x19000] =	vst v63  }
0xef: {  	s0 =	simm.s32 $0xA800  }
0xf0: {  	[tilespmem:s0], [sflag:$0x2] =	stream.indirect_vreg.gather [hbm4b:s7+s3], $0x80, v4, vm0, $0xb8;
	[tilespmem:$0x19000] =	vst v63  }
0xf1: {  	s0 =	simm.s32 $0xB000  }
0xf2: {  	[tilespmem:s0], [sflag:$0x2] =	stream.indirect_vreg.gather [hbm4b:s2+s3], $0x80, v3, vm0, $0xb8;
	[tilespmem:$0x19000] =	vst v63  }
0xf3: {  	s0 =	simm.s32 $0xB800  }
0xf4: {  	[tilespmem:s0], [sflag:$0x2] =	stream.indirect_vreg.gather [hbm4b:s5+s3], $0x80, v3, vm0, $0xb8;
	[tilespmem:$0x19000] =	vst v63  }
0xf5: {  	s0 =	simm.s32 $0xC000  }
0xf6: {  	[tilespmem:s0], [sflag:$0x2] =	stream.indirect_vreg.gather [hbm4b:s6+s3], $0x80, v3, vm0, $0xb8;
	[tilespmem:$0x19000] =	vst v63  }
0xf7: {  	s0 =	simm.s32 $0xC800  }
0xf8: {  	[tilespmem:s0], [sflag:$0x2] =	stream.indirect_vreg.gather [hbm4b:s7+s3], $0x80, v3, vm0, $0xb8;
	[tilespmem:$0x19000] =	vst v63  }
0xf9: {  	v3 =	vld [tilespmem:s25+$0x100];
	_ =	sdelay $0x4  }
0xfa: {  	v63 =	vshll.u32 v3, $0x3  }
0xfb: {  	v3 =	vand.u32 $0x7, v3;
	v4 =	vand.u32 $0xFFFFFFC0, v63  }
0xfc: {  	v3 =	vor.u32 v3, v4  }
0xfd: {  	v4 =	vperm.xlane v3, v0;
	_ =	sdelay $0x1  }
0xfe: {  	v4 =	vadd.s32 v1, v4;
	_ =	sdelay $0x3  }
0xff: {  	s0 =	simm.s32 $0xD000  }
0x100: {  	[tilespmem:s0], [sflag:$0x2] =	stream.indirect_vreg.gather [hbm4b:s2+s3], $0x80, v4, vm0, $0xb8;
	[tilespmem:$0x19000] =	vst v63  }
0x101: {  	v3 =	vperm.xlane v3, v2;
	s0 =	simm.s32 $0xD800  }
0x102: {  	[tilespmem:s0], [sflag:$0x2] =	stream.indirect_vreg.gather [hbm4b:s5+s3], $0x80, v4, vm0, $0xb8;
	[tilespmem:$0x19000] =	vst v63  }
0x103: {  	v3 =	vadd.s32 v1, v3;
	s0 =	simm.s32 $0xE000  }
0x104: {  	[tilespmem:s0], [sflag:$0x2] =	stream.indirect_vreg.gather [hbm4b:s6+s3], $0x80, v4, vm0, $0xb8;
	[tilespmem:$0x19000] =	vst v63  }
0x105: {  	s0 =	simm.s32 $0xE800  }
0x106: {  	[tilespmem:s0], [sflag:$0x2] =	stream.indirect_vreg.gather [hbm4b:s7+s3], $0x80, v4, vm0, $0xb8;
	[tilespmem:$0x19000] =	vst v63  }
0x107: {  	s0 =	simm.s32 $0xF000  }
0x108: {  	[tilespmem:s0], [sflag:$0x2] =	stream.indirect_vreg.gather [hbm4b:s2+s3], $0x80, v3, vm0, $0xb8;
	[tilespmem:$0x19000] =	vst v63  }
0x109: {  	s0 =	simm.s32 $0xF800  }
0x10a: {  	[tilespmem:s0], [sflag:$0x2] =	stream.indirect_vreg.gather [hbm4b:s5+s3], $0x80, v3, vm0, $0xb8;
	[tilespmem:$0x19000] =	vst v63  }
0x10b: {  	s26 =	sadd.s32 $0x3000, s26  }
0x10c: {  	[tilespmem:s1], [sflag:$0x2] =	stream.indirect_vreg.gather [hbm4b:s6+s3], $0x80, v3, vm0, $0xb8;
	[tilespmem:$0x19000] =	vst v63  }
0x10d: {  	p0 =	sne.s32 s26, $0x1E000  }
0x10e: {  	[tilespmem:s18], [sflag:$0x2] =	stream.indirect_vreg.gather [hbm4b:s7+s3], $0x80, v3, vm0, $0xb8;
	[tilespmem:$0x19000] =	vst v63  }
.Ltmp0:
0x10f: {  	_ = 	snop;
	(pc) =	sbr.rel @p0 .LBB2_2-.Ltmp0, $4  }
0x110: {  	_ =	swait.ge [sflag:s24], $0x8000  }
0x111: {  	[sflag:s24] =	ssyncset.done $0x0  }
0x112: {  	s28 =	sadd.s32 $0x2000, s28;
	s25 =	sadd.s32 $0x180, s25;
	[sflag:s24] =	ssyncadd.s32 $0xFFFF8000  }
0x113: {  	[hbm4b:s28+s3] =	stream.linear.scatter [tilespmem:s19], [sflag:$0x6], $0x8000, $0x38;
	[tilespmem:$0x19000] =	vst v63  }
0x114: {  	_ =	swait.ge [sflag:s20], $0x8000  }
0x115: {  	[sflag:s20] =	ssyncset.done $0x0  }
0x116: {  	s25 =	rddreg [dreg:$0x15];
	[sflag:s20] =	ssyncadd.s32 $0xFFFF8000  }
0x117: {  	[hbm4b:s25+s3] =	stream.linear.scatter [tilespmem:s12], [sflag:$0x4], $0x8000, $0x38;
	[tilespmem:$0x19000] =	vst v63  }
0x118: {  	_ =	swait.ge [sflag:s22], $0x8000  }
0x119: {  	[sflag:s22] =	ssyncset.done $0x0  }
0x11a: {  	s18 =	rddreg [dreg:$0x16];
	[sflag:s22] =	ssyncadd.s32 $0xFFFF8000  }
0x11b: {  	[hbm4b:s18+s3] =	stream.linear.scatter [tilespmem:s29], [sflag:$0x5], $0x8000, $0x38;
	[tilespmem:$0x19000] =	vst v63  }
0x11c: {  	_ =	swait.ge [sflag:s21], $0x8000  }
0x11d: {  	[sflag:s21] =	ssyncset.done $0x0  }
0x11e: {  	[sflag:s21] =	ssyncadd.s32 $0xFFFF8000  }
0x11f: {  	_ =	swait.ge [sflag:s23], $0x8000  }
0x120: {  	[sflag:s23] =	ssyncset.done $0x0  }
0x121: {  	s0 =	simm.s32 $0x6;
	[sflag:s23] =	ssyncadd.s32 $0xFFFF8000  }
0x122: {  	_ =	swait.ge [sflag:s0], $0x8000  }
0x123: {  	s28 =	simm.s32 $0x2800;
	s4 =	simm.s32 $0x3000;
	s1 =	rddreg [dreg:$0x18]  }
0x124: {  	s8 =	simm.s32 $0x3800;
	s26 =	rddreg [dreg:$0x17];
	s1 =	sadd.s32 $0x1, s1  }
0x125: {  	s9 =	simm.s32 $0x4000;
	s10 =	simm.s32 $0x4800;
	p0 =	sne.s32 s1, s26  }
.Ltmp1:
0x126: {  	s11 =	simm.s32 $0x5000;
	s13 =	simm.s32 $0x5800;
	(pc) =	sbr.rel @p0 .LBB2_1-.Ltmp1, $4  }
0x127: {  	s14 =	simm.s32 $0x6000;
	s15 =	simm.s32 $0x6800;
	s16 =	simm.s32 $0x7000  }
0x128: {  	s17 =	simm.s32 $0x8000;
	s31 =	simm.s32 $0xA000;
	[sflag:s0] =	ssyncset.done $0x0  }
0x129: {  	s18 =	simm.s32 $0x8800;
	[sflag:s0] =	ssyncadd.s32 $0xFFFF8000;
	s0 =	simm.s32 $0x7800  }
0x12a: {  	[dreg:$0x18] =	wrdreg s1;
	s26 =	simm.s32 $0x1800;
	s1 =	simm.s32 $0x2000  }
0x12b: {  	_ =	sfence.sel $0x180000  }
0x12c: {  	[bflag:$0x0] =	sbarrier.arrive $0xFFFF  }
0x12d: {  	_ =	strace $0x90000047  }
0x12e: {  	s0 =	stileid.u32;
	[bflag:$0x2] =	sbarrier.arrive $0xFFFF  }
0x12f: {  	p0 =	sne.s32 s0, $0x0;
	s0 =	rddreg [dreg:$0x3]  }
0x130: {  	s0 =	sadd.s32 @!p0 $0x100000, s0  }
0x131: {  	[sflag:s0] =	ssyncadd.tile.s32 @!p0 $0x1;
	_ =	shalt  }
.Lfunc_end2:
_tile_overlayer_lowered:
.L_overlay_start_2:
0x132: {  	(tag) =	ssettag $0x2  }
0x133: {  	s0 =	rddreg [dreg:$0x0];
	s2 =	stileid.u32  }
0x134: {  	s1 =	rddreg [dreg:$0x1];
	p0 =	sne.s32 s2, $0x0  }
0x135: {  	s3 =	rddreg [dreg:$0x2];
	[bflag:$0x3] =	sbarrier.arrive $0xFFFF;
	s2 =	simm.s32 @!p0 $0x1C07  }
0x136: {  	[timem:s3], [sflag:s2] =	dma.local @!p0 [hbm:s0], s1  }
0x137: {  	s0 =	simm.s32 @!p0 $0x7  }
0x138: {  	_ =	swait.ge @!p0 [sflag:s0], s1  }
0x139: {  	s1 =	ssub.s32 @!p0 $0x0, s1;
	[sflag:s0] =	ssyncset.done @!p0 $0x0  }
0x13a: {  	[sflag:s0] =	ssyncadd.s32 @!p0 s1  }
0x13b: {  	[bflag:$0x3] =	sbarrier.arrive $0xFFFF  }
0x13c: {  	_ =	shalt  }

</sc_bundles>
